<compile_context>
chip_gen: v7x
topology: tpu7x:2x2x1
jax: 0.10.2.dev20260603
libtpu: 0.0.44.dev20260713+nightly
codegen_flags: <defaults>
</compile_context>

<pallas_src>
import functools

import jax
import jax.numpy as jnp
from jax import lax
from jax.experimental import pallas as pl
from jax.experimental.pallas import tpu as pltpu
from jax.experimental.pallas import tpu_sc as plsc

_NUM_CORES = 2
_NUM_SUBCORES = 16
_NUM_WORKERS = _NUM_CORES * _NUM_SUBCORES
_CHUNK = 800


def _gather_rows(idx_flat, table, n, d):
    n_per_w = n // _NUM_WORKERS
    n_chunks = n_per_w // _CHUNK
    mesh = plsc.VectorSubcoreMesh(core_axis_name="c", subcore_axis_name="s")

    @functools.partial(
        pl.kernel,
        mesh=mesh,
        out_type=jax.ShapeDtypeStruct((n // 2, 2 * d), jnp.float32),
        scratch_types=[
            pltpu.VMEM((_CHUNK,), jnp.int32),
            pltpu.VMEM((_CHUNK, d), jnp.float32),
            pltpu.VMEM((_CHUNK // 2, 2 * d), jnp.float32),
            pltpu.SemaphoreType.DMA,
        ],
        compiler_params=pltpu.CompilerParams(use_tc_tiling_on_sc=False),
    )
    def gather_kernel(table_hbm, idx_hbm, out_hbm, idx_v, rows_v, stag, sem):
        wid = lax.axis_index("s") * _NUM_CORES + lax.axis_index("c")
        base = wid * n_per_w

        @pl.loop(0, n_chunks)
        def _(i):
            off = base + i * _CHUNK
            pltpu.sync_copy(idx_hbm.at[pl.ds(off, _CHUNK)], idx_v)
            pltpu.async_copy(table_hbm.at[idx_v], rows_v, sem).wait()

            @pl.loop(0, _CHUNK // 2)
            def _(m):
                for k in range(d // 16):
                    stag[m, pl.ds(16 * k, 16)] = rows_v[2 * m,
                                                        pl.ds(16 * k, 16)]
                    stag[m, pl.ds(d + 16 * k, 16)] = rows_v[2 * m + 1,
                                                            pl.ds(16 * k, 16)]

            pout = pl.multiple_of(off // 2, 8)
            pltpu.sync_copy(stag, out_hbm.at[pl.ds(pout, _CHUNK // 2)])

    return gather_kernel(table, idx_flat)


def kernel(input_batch, table):
    b, l = input_batch.shape
    v, d = table.shape
    n = b * l
    idx_flat = input_batch.reshape(n)
    out2 = _gather_rows(idx_flat, table, n, d)
    embedded = out2.reshape(b, l, d)
    sequence_lengths = jnp.full((b,), float(l), dtype=jnp.float32)
    return (embedded, sequence_lengths)

# --- scband reference (transcript-rebuilt; emitter-appended) ---
"""Pipeline reference for scband-embedding-from-pretrained-21869973471829 (READ-ONLY COPY).

The authoritative reference and input builder live on the scoring server;
editing this copy changes nothing except your own understanding.
"""

import jax, jax.numpy as jnp
import numpy as np

VOCAB = 1000000
BATCH = 1024
SEQ_MAX = 200
VECTOR_SIZE = 64


def setup_inputs(seed: int = 0) -> dict:
    key = jax.random.key(seed)
    k_idx, k_tbl = jax.random.split(key)
    # input_batch: int token indices [B, L], each < VOCAB (in-range for the table)
    input_batch = jax.random.randint(k_idx, (BATCH, SEQ_MAX), 0, VOCAB, dtype=jnp.int32)
    # pretrained embedding table (corresponds to self.pretrained_embeddings weight)
    table = jax.random.normal(k_tbl, (VOCAB, VECTOR_SIZE), dtype=jnp.float32) * 0.02
    return {"input_batch": input_batch, "table": table}


def reference(input_batch, table):
    # Faithful translation of EmbeddingFromPretrained.forward:
    # for each sample, embedded_batch[n] = pretrained_embeddings(tokens)
    # which is a plain embedding gather over the whole batch.
    embedded_batch = jnp.take(table, input_batch, axis=0)  # [B, L, D]
    # sequence_lengths: every sample uses sequence_max_length tokens
    sequence_lengths = jnp.full((input_batch.shape[0],), input_batch.shape[1], dtype=jnp.float32)
    return (embedded_batch, sequence_lengths)

if __name__ == "__main__":
    import jax
    _d = setup_inputs()
    print(jax.jit(kernel)(*tuple(_d.values())))

</pallas_src>

<mosaic_0001>
#map = affine_map<(d0, d1) -> (0, 0)>
#map1 = affine_map<(d0, d1) -> (0)>
module attributes {stable_mosaic.version = 14 : i64} {
  func.func @gather_kernel(%arg0: i32, %arg1: i32, %arg2: memref<1000000x64xf32, #tpu.memory_space<hbm>>, %arg3: memref<204800xi32, #tpu.memory_space<hbm>>, %arg4: memref<102400x128xf32, #tpu.memory_space<hbm>>, %arg5: memref<800xi32, #tpu.memory_space<vmem>>, %arg6: memref<800x64xf32, #tpu.memory_space<vmem>>, %arg7: memref<400x128xf32, #tpu.memory_space<vmem>>, %arg8: memref<!tpu.dma_semaphore, #tpu.memory_space<semaphore_mem>>) attributes {dimension_semantics = [#tpu.dimension_semantics<core_parallel>, #tpu.dimension_semantics<subcore_parallel>], iteration_bounds = array<i64: 2, 16>, scalar_prefetch = 0 : i64, scratch_operands = 4 : i64, tpu.core_type = #tpu.core_type<sc_vector_subcore>, window_params = [{transform_indices = #map}, {transform_indices = #map1}, {transform_indices = #map}]} {
    %mul3A = arith.constant 2 : i32
    %mul3A_0 = arith.muli %arg1, %mul3A : i32
    %add3A = arith.addi %mul3A_0, %arg0 : i32
    %mul3A_1 = arith.constant 6400 : i32
    %mul3A_2 = arith.muli %add3A, %mul3A_1 : i32
    %scan3A = arith.constant 0 : i32
    %scan3A_3 = arith.constant 8 : i32
    %scan3A_4 = arith.addi %scan3A, %scan3A_3 : i32
    %scan3A_5 = arith.constant 1 : i32
    scf.for %scan3A_7 = %scan3A to %scan3A_4 step %scan3A_5  : i32 {
      %mul3A_8 = arith.constant 1 : i32
      %mul3A_9 = arith.muli %scan3A_7, %mul3A_8 : i32
      %add3A_10 = arith.constant 0 : i32
      %add3A_11 = arith.addi %add3A_10, %mul3A_9 : i32
      %mul3A_12 = arith.constant 800 : i32
      %mul3A_13 = arith.muli %add3A_11, %mul3A_12 : i32
      %add3A_14 = arith.addi %mul3A_2, %mul3A_13 : i32
      "tpu.region"() ({
        %run_scoped3A = tpu.sem_alloc : memref<!tpu.dma_semaphore, #tpu.memory_space<semaphore_mem>>
        %dma_start3A_40 = tpu.memref_slice %arg3[%add3A_14] : memref<204800xi32, #tpu.memory_space<hbm>> -> memref<800xi32, #tpu.memory_space<hbm>>
        %dma_start3A_41 = tpu.memref_slice %arg3[%add3A_14] : memref<204800xi32, #tpu.memory_space<hbm>> -> memref<800xi32, #tpu.memory_space<hbm>>
        tpu.enqueue_dma source(%dma_start3A_41 : memref<800xi32, #tpu.memory_space<hbm>>) target(%arg5 : memref<800xi32, #tpu.memory_space<vmem>>) target_semaphore(%run_scoped3A : memref<!tpu.dma_semaphore, #tpu.memory_space<semaphore_mem>>)
        %dma_wait3A_42 = tpu.memref_slice %arg3[%add3A_14] : memref<204800xi32, #tpu.memory_space<hbm>> -> memref<800xi32, #tpu.memory_space<hbm>>
        %dma_wait3A_43 = tpu.memref_slice %arg3[%add3A_14] : memref<204800xi32, #tpu.memory_space<hbm>> -> memref<800xi32, #tpu.memory_space<hbm>>
        tpu.wait_dma2 semaphore(%run_scoped3A : memref<!tpu.dma_semaphore, #tpu.memory_space<semaphore_mem>>) src(%dma_wait3A_43 : memref<800xi32, #tpu.memory_space<hbm>>) dst(%arg5 : memref<800xi32, #tpu.memory_space<vmem>>)
        tpu.yield
      }) : () -> ()
      %dma_start3A = arith.constant 0 : i32
      %dma_start3A_15 = arith.constant 0 : i32
      %dma_start3A_16 = tpu.memref_slice %arg2[%dma_start3A, %dma_start3A_15] : memref<1000000x64xf32, #tpu.memory_space<hbm>> -> memref<1000000x64xf32, #tpu.memory_space<hbm>>
      tpu.enqueue_indirect_dma source(%dma_start3A_16 : memref<1000000x64xf32, #tpu.memory_space<hbm>>) target(%arg6 : memref<800x64xf32, #tpu.memory_space<vmem>>) offsets(%arg5 : memref<800xi32, #tpu.memory_space<vmem>>) semaphore(%arg8 : memref<!tpu.dma_semaphore, #tpu.memory_space<semaphore_mem>>)
      %dma_wait3A = arith.constant 0 : i32
      %dma_wait3A_17 = arith.constant 0 : i32
      %dma_wait3A_18 = tpu.memref_slice %arg2[%dma_wait3A, %dma_wait3A_17] : memref<1000000x64xf32, #tpu.memory_space<hbm>> -> memref<1000000x64xf32, #tpu.memory_space<hbm>>
      tpu.wait_indirect_dma semaphore(%arg8 : memref<!tpu.dma_semaphore, #tpu.memory_space<semaphore_mem>>) src(%dma_wait3A_18 : memref<1000000x64xf32, #tpu.memory_space<hbm>>) dst(%arg6 : memref<800x64xf32, #tpu.memory_space<vmem>>)
      %scan3A_19 = arith.constant 0 : i32
      %scan3A_20 = arith.constant 400 : i32
      %scan3A_21 = arith.addi %scan3A_19, %scan3A_20 : i32
      %scan3A_22 = arith.constant 1 : i32
      scf.for %scan3A_40 = %scan3A_19 to %scan3A_21 step %scan3A_22  : i32 {
        %mul3A_41 = arith.constant 1 : i32
        %mul3A_42 = arith.muli %scan3A_40, %mul3A_41 : i32
        %add3A_43 = arith.constant 0 : i32
        %add3A_44 = arith.addi %add3A_43, %mul3A_42 : i32
        %mul3A_45 = arith.constant 2 : i32
        %mul3A_46 = arith.muli %mul3A_45, %add3A_44 : i32
        %get3A = arith.index_cast %mul3A_46 : i32 to index
        %get3A_47 = arith.constant 0 : index
        %get3A_48 = tpu.vector_load %arg6[%get3A, %get3A_47] {strides = array<i32>} : memref<800x64xf32, #tpu.memory_space<vmem>>, vector<1x16xf32>,
        %get3A_49 = vector.shape_cast %get3A_48 : vector<1x16xf32> to vector<16xf32>
        %swap3A = arith.index_cast %add3A_44 : i32 to index
        %swap3A_50 = arith.constant 0 : index
        %swap3A_51 = tpu.vector_load %arg7[%swap3A, %swap3A_50] {strides = array<i32>} : memref<400x128xf32, #tpu.memory_space<vmem>>, vector<1x16xf32>,
        %swap3A_52 = vector.shape_cast %swap3A_51 : vector<1x16xf32> to vector<16xf32>
        %swap3A_53 = vector.shape_cast %get3A_49 : vector<16xf32> to vector<1x16xf32>
        tpu.vector_store %arg7[%swap3A, %swap3A_50], %swap3A_53 {strides = array<i32>} : memref<400x128xf32, #tpu.memory_space<vmem>>, vector<1x16xf32>,
        %mul3A_54 = arith.constant 2 : i32
        %mul3A_55 = arith.muli %mul3A_54, %add3A_44 : i32
        %add3A_56 = arith.constant 1 : i32
        %add3A_57 = arith.addi %mul3A_55, %add3A_56 : i32
        %get3A_58 = arith.index_cast %add3A_57 : i32 to index
        %get3A_59 = arith.constant 0 : index
        %get3A_60 = tpu.vector_load %arg6[%get3A_58, %get3A_59] {strides = array<i32>} : memref<800x64xf32, #tpu.memory_space<vmem>>, vector<1x16xf32>,
        %get3A_61 = vector.shape_cast %get3A_60 : vector<1x16xf32> to vector<16xf32>
        %swap3A_62 = arith.index_cast %add3A_44 : i32 to index
        %swap3A_63 = arith.constant 64 : index
        %swap3A_64 = tpu.vector_load %arg7[%swap3A_62, %swap3A_63] {strides = array<i32>} : memref<400x128xf32, #tpu.memory_space<vmem>>, vector<1x16xf32>,
        %swap3A_65 = vector.shape_cast %swap3A_64 : vector<1x16xf32> to vector<16xf32>
        %swap3A_66 = vector.shape_cast %get3A_61 : vector<16xf32> to vector<1x16xf32>
        tpu.vector_store %arg7[%swap3A_62, %swap3A_63], %swap3A_66 {strides = array<i32>} : memref<400x128xf32, #tpu.memory_space<vmem>>, vector<1x16xf32>,
        %mul3A_67 = arith.constant 2 : i32
        %mul3A_68 = arith.muli %mul3A_67, %add3A_44 : i32
        %get3A_69 = arith.index_cast %mul3A_68 : i32 to index
        %get3A_70 = arith.constant 16 : index
        %get3A_71 = tpu.vector_load %arg6[%get3A_69, %get3A_70] {strides = array<i32>} : memref<800x64xf32, #tpu.memory_space<vmem>>, vector<1x16xf32>,
        %get3A_72 = vector.shape_cast %get3A_71 : vector<1x16xf32> to vector<16xf32>
        %swap3A_73 = arith.index_cast %add3A_44 : i32 to index
        %swap3A_74 = arith.constant 16 : index
        %swap3A_75 = tpu.vector_load %arg7[%swap3A_73, %swap3A_74] {strides = array<i32>} : memref<400x128xf32, #tpu.memory_space<vmem>>, vector<1x16xf32>,
        %swap3A_76 = vector.shape_cast %swap3A_75 : vector<1x16xf32> to vector<16xf32>
        %swap3A_77 = vector.shape_cast %get3A_72 : vector<16xf32> to vector<1x16xf32>
        tpu.vector_store %arg7[%swap3A_73, %swap3A_74], %swap3A_77 {strides = array<i32>} : memref<400x128xf32, #tpu.memory_space<vmem>>, vector<1x16xf32>,
        %mul3A_78 = arith.constant 2 : i32
        %mul3A_79 = arith.muli %mul3A_78, %add3A_44 : i32
        %add3A_80 = arith.constant 1 : i32
        %add3A_81 = arith.addi %mul3A_79, %add3A_80 : i32
        %get3A_82 = arith.index_cast %add3A_81 : i32 to index
        %get3A_83 = arith.constant 16 : index
        %get3A_84 = tpu.vector_load %arg6[%get3A_82, %get3A_83] {strides = array<i32>} : memref<800x64xf32, #tpu.memory_space<vmem>>, vector<1x16xf32>,
        %get3A_85 = vector.shape_cast %get3A_84 : vector<1x16xf32> to vector<16xf32>
        %swap3A_86 = arith.index_cast %add3A_44 : i32 to index
        %swap3A_87 = arith.constant 80 : index
        %swap3A_88 = tpu.vector_load %arg7[%swap3A_86, %swap3A_87] {strides = array<i32>} : memref<400x128xf32, #tpu.memory_space<vmem>>, vector<1x16xf32>,
        %swap3A_89 = vector.shape_cast %swap3A_88 : vector<1x16xf32> to vector<16xf32>
        %swap3A_90 = vector.shape_cast %get3A_85 : vector<16xf32> to vector<1x16xf32>
        tpu.vector_store %arg7[%swap3A_86, %swap3A_87], %swap3A_90 {strides = array<i32>} : memref<400x128xf32, #tpu.memory_space<vmem>>, vector<1x16xf32>,
        %mul3A_91 = arith.constant 2 : i32
        %mul3A_92 = arith.muli %mul3A_91, %add3A_44 : i32
        %get3A_93 = arith.index_cast %mul3A_92 : i32 to index
        %get3A_94 = arith.constant 32 : index
        %get3A_95 = tpu.vector_load %arg6[%get3A_93, %get3A_94] {strides = array<i32>} : memref<800x64xf32, #tpu.memory_space<vmem>>, vector<1x16xf32>,
        %get3A_96 = vector.shape_cast %get3A_95 : vector<1x16xf32> to vector<16xf32>
        %swap3A_97 = arith.index_cast %add3A_44 : i32 to index
        %swap3A_98 = arith.constant 32 : index
        %swap3A_99 = tpu.vector_load %arg7[%swap3A_97, %swap3A_98] {strides = array<i32>} : memref<400x128xf32, #tpu.memory_space<vmem>>, vector<1x16xf32>,
        %swap3A_100 = vector.shape_cast %swap3A_99 : vector<1x16xf32> to vector<16xf32>
        %swap3A_101 = vector.shape_cast %get3A_96 : vector<16xf32> to vector<1x16xf32>
        tpu.vector_store %arg7[%swap3A_97, %swap3A_98], %swap3A_101 {strides = array<i32>} : memref<400x128xf32, #tpu.memory_space<vmem>>, vector<1x16xf32>,
        %mul3A_102 = arith.constant 2 : i32
        %mul3A_103 = arith.muli %mul3A_102, %add3A_44 : i32
        %add3A_104 = arith.constant 1 : i32
        %add3A_105 = arith.addi %mul3A_103, %add3A_104 : i32
        %get3A_106 = arith.index_cast %add3A_105 : i32 to index
        %get3A_107 = arith.constant 32 : index
        %get3A_108 = tpu.vector_load %arg6[%get3A_106, %get3A_107] {strides = array<i32>} : memref<800x64xf32, #tpu.memory_space<vmem>>, vector<1x16xf32>,
        %get3A_109 = vector.shape_cast %get3A_108 : vector<1x16xf32> to vector<16xf32>
        %swap3A_110 = arith.index_cast %add3A_44 : i32 to index
        %swap3A_111 = arith.constant 96 : index
        %swap3A_112 = tpu.vector_load %arg7[%swap3A_110, %swap3A_111] {strides = array<i32>} : memref<400x128xf32, #tpu.memory_space<vmem>>, vector<1x16xf32>,
        %swap3A_113 = vector.shape_cast %swap3A_112 : vector<1x16xf32> to vector<16xf32>
        %swap3A_114 = vector.shape_cast %get3A_109 : vector<16xf32> to vector<1x16xf32>
        tpu.vector_store %arg7[%swap3A_110, %swap3A_111], %swap3A_114 {strides = array<i32>} : memref<400x128xf32, #tpu.memory_space<vmem>>, vector<1x16xf32>,
        %mul3A_115 = arith.constant 2 : i32
        %mul3A_116 = arith.muli %mul3A_115, %add3A_44 : i32
        %get3A_117 = arith.index_cast %mul3A_116 : i32 to index
        %get3A_118 = arith.constant 48 : index
        %get3A_119 = tpu.vector_load %arg6[%get3A_117, %get3A_118] {strides = array<i32>} : memref<800x64xf32, #tpu.memory_space<vmem>>, vector<1x16xf32>,
        %get3A_120 = vector.shape_cast %get3A_119 : vector<1x16xf32> to vector<16xf32>
        %swap3A_121 = arith.index_cast %add3A_44 : i32 to index
        %swap3A_122 = arith.constant 48 : index
        %swap3A_123 = tpu.vector_load %arg7[%swap3A_121, %swap3A_122] {strides = array<i32>} : memref<400x128xf32, #tpu.memory_space<vmem>>, vector<1x16xf32>,
        %swap3A_124 = vector.shape_cast %swap3A_123 : vector<1x16xf32> to vector<16xf32>
        %swap3A_125 = vector.shape_cast %get3A_120 : vector<16xf32> to vector<1x16xf32>
        tpu.vector_store %arg7[%swap3A_121, %swap3A_122], %swap3A_125 {strides = array<i32>} : memref<400x128xf32, #tpu.memory_space<vmem>>, vector<1x16xf32>,
        %mul3A_126 = arith.constant 2 : i32
        %mul3A_127 = arith.muli %mul3A_126, %add3A_44 : i32
        %add3A_128 = arith.constant 1 : i32
        %add3A_129 = arith.addi %mul3A_127, %add3A_128 : i32
        %get3A_130 = arith.index_cast %add3A_129 : i32 to index
        %get3A_131 = arith.constant 48 : index
        %get3A_132 = tpu.vector_load %arg6[%get3A_130, %get3A_131] {strides = array<i32>} : memref<800x64xf32, #tpu.memory_space<vmem>>, vector<1x16xf32>,
        %get3A_133 = vector.shape_cast %get3A_132 : vector<1x16xf32> to vector<16xf32>
        %swap3A_134 = arith.index_cast %add3A_44 : i32 to index
        %swap3A_135 = arith.constant 112 : index
        %swap3A_136 = tpu.vector_load %arg7[%swap3A_134, %swap3A_135] {strides = array<i32>} : memref<400x128xf32, #tpu.memory_space<vmem>>, vector<1x16xf32>,
        %swap3A_137 = vector.shape_cast %swap3A_136 : vector<1x16xf32> to vector<16xf32>
        %swap3A_138 = vector.shape_cast %get3A_133 : vector<16xf32> to vector<1x16xf32>
        tpu.vector_store %arg7[%swap3A_134, %swap3A_135], %swap3A_138 {strides = array<i32>} : memref<400x128xf32, #tpu.memory_space<vmem>>, vector<1x16xf32>,
      }
      %scan3A_23 = arith.constant 400 : i32
      %jit3A = arith.constant 2 : i32
      %div3A = arith.divsi %add3A_14, %jit3A : i32
      %sign3A = arith.constant 0 : i32
      %sign3A_24 = arith.cmpi sgt, %add3A_14, %sign3A : i32
      %sign3A_25 = arith.extui %sign3A_24 : i1 to i32
      %sign3A_26 = arith.constant 0 : i32
      %sign3A_27 = arith.cmpi slt, %add3A_14, %sign3A_26 : i32
      %sign3A_28 = arith.extui %sign3A_27 : i1 to i32
      %sign3A_29 = arith.subi %sign3A_25, %sign3A_28 : i32
      %sign3A_30 = arith.constant 0 : i32
      %sign3A_31 = arith.cmpi sgt, %jit3A, %sign3A_30 : i32
      %sign3A_32 = arith.extui %sign3A_31 : i1 to i32
      %sign3A_33 = arith.constant 0 : i32
      %sign3A_34 = arith.cmpi slt, %jit3A, %sign3A_33 : i32
      %sign3A_35 = arith.extui %sign3A_34 : i1 to i32
      %sign3A_36 = arith.subi %sign3A_32, %sign3A_35 : i32
      %ne3A = arith.cmpi ne, %sign3A_29, %sign3A_36 : i32
      %rem3A = arith.remsi %add3A_14, %jit3A : i32
      %ne3A_37 = arith.constant 0 : i32
      %ne3A_38 = arith.cmpi ne, %rem3A, %ne3A_37 : i32
      %and3A = arith.andi %ne3A, %ne3A_38 : i1
      %sub3A = arith.constant 1 : i32
      %sub3A_39 = arith.subi %div3A, %sub3A : i32
      %select_n3A = arith.select %and3A, %sub3A_39, %div3A : i32
      %multiple_of3A = tpu.assume_multiple %select_n3A, 8 : i32
      "tpu.region"() ({
        %run_scoped3A = tpu.sem_alloc : memref<!tpu.dma_semaphore, #tpu.memory_space<semaphore_mem>>
        %dma_start3A_40 = arith.constant 0 : i32
        %dma_start3A_41 = tpu.memref_slice %arg4[%multiple_of3A, %dma_start3A_40] : memref<102400x128xf32, #tpu.memory_space<hbm>> -> memref<400x128xf32, #tpu.memory_space<hbm>>
        %dma_start3A_42 = arith.constant 0 : i32
        %dma_start3A_43 = tpu.memref_slice %arg4[%multiple_of3A, %dma_start3A_42] : memref<102400x128xf32, #tpu.memory_space<hbm>> -> memref<400x128xf32, #tpu.memory_space<hbm>>
        tpu.enqueue_dma source(%arg7 : memref<400x128xf32, #tpu.memory_space<vmem>>) target(%dma_start3A_43 : memref<400x128xf32, #tpu.memory_space<hbm>>) target_semaphore(%run_scoped3A : memref<!tpu.dma_semaphore, #tpu.memory_space<semaphore_mem>>)
        %dma_wait3A_44 = arith.constant 0 : i32
        %dma_wait3A_45 = tpu.memref_slice %arg4[%multiple_of3A, %dma_wait3A_44] : memref<102400x128xf32, #tpu.memory_space<hbm>> -> memref<400x128xf32, #tpu.memory_space<hbm>>
        %dma_wait3A_46 = arith.constant 0 : i32
        %dma_wait3A_47 = tpu.memref_slice %arg4[%multiple_of3A, %dma_wait3A_46] : memref<102400x128xf32, #tpu.memory_space<hbm>> -> memref<400x128xf32, #tpu.memory_space<hbm>>
        tpu.wait_dma2 semaphore(%run_scoped3A : memref<!tpu.dma_semaphore, #tpu.memory_space<semaphore_mem>>) src(%arg7 : memref<400x128xf32, #tpu.memory_space<vmem>>) dst(%dma_wait3A_47 : memref<400x128xf32, #tpu.memory_space<hbm>>)
        tpu.yield
      }) : () -> ()
    }
    %scan3A_6 = arith.constant 8 : i32
    return
  }
}

</mosaic_0001>

<sc_bundles>
// kernel: kernel.3.cloned.1.call-start
scs
__scs_entry_jumppad:
0x0: {  	(pc) =	sbr.rel $0x88, $3  }
0x1: {  	(tag) =	ssettag $0x0;
	lr =	simm.s32 $0x1  }
0x2: {  	[smem:$0x3F9F] =	sst lr;
	_ =	strace $0xD0000000  }
0x3: {  	_ = 	snop  }
0x4: {  	_ = 	snop  }
0x5: {  	_ = 	snop  }
0x6: {  	_ = 	snop  }
0x7: {  	_ = 	snop  }
__scs_overlays_trampoline_lowered:
0x8: {  	[smem:$0x3FAE] =	sst s0  }
0x9: {  	[smem:$0x3FAF] =	sst s1  }
0xa: {  	[smem:$0x3FB0] =	sst s2  }
0xb: {  	[smem:$0x3FB1] =	sst s3  }
0xc: {  	[smem:$0x3FB2] =	sst s4  }
0xd: {  	[smem:$0x3FB3] =	sst s5  }
0xe: {  	[smem:$0x3FB4] =	sst s6  }
0xf: {  	[smem:$0x3FB5] =	sst s7  }
0x10: {  	[smem:$0x3FB6] =	sst s8  }
0x11: {  	[smem:$0x3FB7] =	sst s9;
	s0 =	simm.s32 @!p0 $0x0  }
0x12: {  	s1 =	sld [smem:$0x3F9D];
	s0 =	simm.s32 @p0 $0x1  }
0x13: {  	[smem:$0x3FB8] =	sst s0;
	s0 =	simm.s32 @!p1 $0x0  }
0x14: {  	s2 =	sld [smem:$0x3F9C];
	s0 =	simm.s32 @p1 $0x1  }
0x15: {  	[smem:$0x3FB9] =	sst s0;
	s0 =	simm.s32 @!p2 $0x0  }
0x16: {  	s3 =	sld [smem:$0x3FDB];
	s0 =	simm.s32 @p2 $0x1  }
0x17: {  	s4 =	simm.s32 $0x1BF5;
	[smem:$0x3FBB] =	sst s0  }
0x18: {  	s0 =	sld [smem:$0x3F9E];
	_ =	swait.ge [sflag:s4], $0x0  }
0x19: {  	s7 =	sld [smem:$0x3F9F]  }
0x1a: {  	s8 =	sadd.s32 $0xFFFFE003, lr  }
0x1b: {  	s9 =	sadd.s32 $0xFFFFFEF7, lr;
	s5 =	simm.s32 $0xFFFFFFFF;
	p2 =	slt.u32 s8, $0xFFFFF086  }
0x1c: {  	p1 =	slt.u32 s9, $0xF7A;
	s5 =	simm.s32 @!p2 $0x0  }
0x1d: {  	s5 =	simm.s32 @p1 $0x1;
	p0 =	seq.s32 s7, s2  }
0x1e: {  	s7 =	smul.u32 @!p0 $0xF7A, s2;
	p2 =	seq.s32 @!p0 s5, $0x0  }
0x1f: {  	s9 =	smul.u32 $0xF7A, s1;
	s8 =	simm.s32 @!p0 $0x1BF5;
	p2 =	por !p2, p0  }
0x20: {  	[sflag:s8] =	ssyncset.s32 @!p0 $0xFFFFF086;
	s6 =	sadd.s32 @!p0 s3, s7;
	s7 =	simm.s32 @!p0 $0x108  }
0x21: {  	s3 =	sadd.s32 s3, s9;
	s6 =	sadd.s32 @!p0 $0x88, s6;
	s7 =	simm.s32 @p2 $0x1082  }
0x22: {  	[simem:s7], [sflag:s8] =	dma.local @!p0 [hbm:s6], $0xF7A  }
0x23: {  	s9 =	sor.u32 $0xD0000000, s2;
	s6 =	simm.s32 $0x108;
	_ =	swait.ge @!p0 [sflag:s8], $0x0  }
0x24: {  	s3 =	sadd.s32 $0x88, s3;
	s6 =	simm.s32 @!p1 $0x1082;
	[sflag:s4] =	ssyncset.s32 $0xFFFFF086  }
0x25: {  	[simem:s6], [sflag:s4] =	dma.local [hbm:s3], $0xF7A  }
0x26: {  	[smem:$0x3F9F] =	sst s1;
	(tag) =	ssettag s2;
	_ =	strace s9  }
0x27: {  	s1 =	sld [smem:$0x3FAF]  }
0x28: {  	s2 =	sld [smem:$0x3FB0]  }
0x29: {  	s4 =	sld [smem:$0x3FB2]  }
0x2a: {  	p0 =	seq.s32 s5, $0x0;
	s5 =	sld [smem:$0x3FB3]  }
0x2b: {  	s6 =	sld [smem:$0x3FB4]  }
0x2c: {  	s7 =	sld [smem:$0x3FB5]  }
0x2d: {  	s3 =	simm.s32 $0x108;
	s8 =	sld [smem:$0x3FB6]  }
0x2e: {  	s3 =	simm.s32 @!p0 $0x1082;
	s9 =	sld [smem:$0x3FB7]  }
0x2f: {  	lr =	sadd.s32 s0, s3;
	s0 =	sld [smem:$0x3FAE]  }
0x30: {  	s3 =	sld [smem:$0x3FB1]  }
0x31: {  	[smem:$0x3FBA] =	sst s10  }
0x32: {  	s10 =	sld [smem:$0x3FB8];
	_ =	sdelay $0x3  }
0x33: {  	p0 =	seq.s32 s10, $0x1;
	s10 =	sld [smem:$0x3FBA];
	_ =	sdelay $0x3  }
0x34: {  	[smem:$0x3FBA] =	sst s10  }
0x35: {  	s10 =	sld [smem:$0x3FB9];
	_ =	sdelay $0x3  }
0x36: {  	p1 =	seq.s32 s10, $0x1;
	s10 =	sld [smem:$0x3FBA];
	_ =	sdelay $0x3  }
0x37: {  	[smem:$0x3FBA] =	sst s10  }
0x38: {  	s10 =	sld [smem:$0x3FBB]  }
0x39: {  	_ = 	snop;
	(pc) =	sbr.ind lr, $3  }
0x3a: {  	_ = 	snop  }
0x3b: {  	_ = 	snop  }
0x3c: {  	p2 =	seq.s32 s10, $0x1;
	s10 =	sld [smem:$0x3FBA]  }
0x3d: {  	_ =	shalt  }
0x3e: {  	_ =	shalt  }
0x3f: {  	_ =	shalt  }
0x40: {  	_ =	shalt  }
0x41: {  	_ =	shalt  }
0x42: {  	_ =	shalt  }
0x43: {  	_ =	shalt  }
0x44: {  	_ =	shalt  }
0x45: {  	_ =	shalt  }
0x46: {  	_ =	shalt  }
0x47: {  	_ =	shalt  }
0x48: {  	_ =	shalt  }
0x49: {  	_ =	shalt  }
0x4a: {  	_ =	shalt  }
0x4b: {  	_ =	shalt  }
0x4c: {  	_ =	shalt  }
0x4d: {  	_ =	shalt  }
0x4e: {  	_ =	shalt  }
0x4f: {  	_ =	shalt  }
0x50: {  	_ =	shalt  }
0x51: {  	_ =	shalt  }
0x52: {  	_ =	shalt  }
0x53: {  	_ =	shalt  }
0x54: {  	_ =	shalt  }
0x55: {  	_ =	shalt  }
0x56: {  	_ =	shalt  }
0x57: {  	_ =	shalt  }
0x58: {  	_ =	shalt  }
0x59: {  	_ =	shalt  }
0x5a: {  	_ =	shalt  }
0x5b: {  	_ =	shalt  }
0x5c: {  	_ =	shalt  }
0x5d: {  	_ =	shalt  }
0x5e: {  	_ =	shalt  }
0x5f: {  	_ =	shalt  }
0x60: {  	_ =	shalt  }
0x61: {  	_ =	shalt  }
0x62: {  	_ =	shalt  }
0x63: {  	_ =	shalt  }
0x64: {  	_ =	shalt  }
0x65: {  	_ =	shalt  }
0x66: {  	_ =	shalt  }
0x67: {  	_ =	shalt  }
0x68: {  	_ =	shalt  }
0x69: {  	_ =	shalt  }
0x6a: {  	_ =	shalt  }
0x6b: {  	_ =	shalt  }
0x6c: {  	_ =	shalt  }
0x6d: {  	_ =	shalt  }
0x6e: {  	_ =	shalt  }
0x6f: {  	_ =	shalt  }
0x70: {  	_ =	shalt  }
0x71: {  	_ =	shalt  }
0x72: {  	_ =	shalt  }
0x73: {  	_ =	shalt  }
0x74: {  	_ =	shalt  }
0x75: {  	_ =	shalt  }
0x76: {  	_ =	shalt  }
0x77: {  	_ =	shalt  }
0x78: {  	_ =	shalt  }
0x79: {  	_ =	shalt  }
0x7a: {  	_ =	shalt  }
0x7b: {  	_ =	shalt  }
0x7c: {  	_ =	shalt  }
0x7d: {  	_ =	shalt  }
0x7e: {  	_ =	shalt  }
0x7f: {  	_ =	shalt  }
0x80: {  	_ =	shalt  }
0x81: {  	_ =	shalt  }
0x82: {  	_ =	shalt  }
0x83: {  	_ =	shalt  }
0x84: {  	_ =	shalt  }
0x85: {  	_ =	shalt  }
0x86: {  	_ =	shalt  }
0x87: {  	_ =	shalt  }
.Lfunc_end0:
.L_simem_size_0:
called_computation.1_lowered:
.L_overlay_start_0:
0x88: {  	s2 =	sld [smem:$0x3FD9]  }
0x89: {  	s3 =	sld [smem:$0x3FFE];
	_ =	sdelay $0x1  }
0x8a: {  	s1 =	srdreg.scid  }
0x8b: {  	s0 =	sand.u32 $0x1, s1  }
0x8c: {  	s14 =	sshll.u32 s0, $0xA;
	s2 =	sadd.s32 s3, s2  }
0x8d: {  	s2 =	sadd.s32 s2, s14  }
0x8e: {  	[smem:$0x3FC6] =	sst s2  }
0x8f: {  	_ = 	snop  }
0x90: {  	s2 =	sld [smem:$0x3FD0];
	_ =	sdelay $0x2  }
0x91: {  	s15 =	simm.s32 $0xA;
	s4 =	simm.s32 $0x10  }
0x92: {  	[smem:s4], [sflag:s15] =	dma.local [hbm:s2], $0x1  }
0x93: {  	_ =	swait.eq [sflag:s15], $0x1  }
0x94: {  	[sflag:s15] =	ssyncset.done $0x0  }
0x95: {  	[sflag:s15] =	ssyncadd.s32 $0xFFFFFFFF  }
0x96: {  	s16 =	sld [smem:$0x10];
	(tm) =	ssettm $0x1  }
0x97: {  	s17 =	sld [smem:$0x3FFB];
	_ =	sdelay $0x3  }
0x98: {  	_ =	strace s17  }
0x99: {  	s3 =	sld [smem:$0x3FFC];
	_ =	sdelay $0x3  }
0x9a: {  	_ =	strace s3  }
0x9b: {  	s3 =	sld [smem:$0x3FFD];
	_ =	sdelay $0x3  }
0x9c: {  	_ =	strace s3  }
0x9d: {  	_ =	strace $0x8FFFFFFF  }
0x9e: {  	s18 =	sld [smem:$0x3FDB];
	_ =	sdelay $0x1  }
0x9f: {  	s19 =	simm.s32 $_scs_section_size  }
0xa0: {  	s5 =	simm.s32 $_size__tile_overlayer_lowered;
	s6 =	simm.s32 $_tile_overlayer_lowered  }
0xa1: {  	s22 =	simm.s32 $0x1BFF;
	s21 =	sshll.u32 s6, $0x1;
	s3 =	sadd.s32 s19, s18  }
0xa2: {  	s7 =	simm.s32 $0x0;
	s20 =	sshll.u32 s5, $0x1;
	s5 =	sadd.s32 s21, s3  }
0xa3: {  	[timem:s7], [sflag:s22] =	dma.local [hbm:s5], s20  }
0xa4: {  	_ =	swait.ge [sflag:s22], s20  }
0xa5: {  	s4 =	ssub.s32 $0x0, s20;
	[sflag:s22] =	ssyncset.done $0x0  }
0xa6: {  	[sflag:s22] =	ssyncadd.s32 s4;
	_ =	sdelay $0x1  }
0xa7: {  	s23 =	simm.s32 $0x1B8B  }
0xa8: {  	_ =	swait.ge [sflag:s23], $0x1  }
0xa9: {  	[sflag:s23] =	ssyncset.done $0x0  }
0xaa: {  	s25 =	simm.s32 $0x1B8E;
	s24 =	sld [smem:$0x3FFE];
	[sflag:s23] =	ssyncadd.s32 $0xFFFFFFFF  }
0xab: {  	s26 =	simm.s32 $execute0_lowered;
	[smem:$0x3FD2] =	sst s25  }
0xac: {  	s5 =	sshll.u32 s26, $0x1;
	_ =	strace $0x80000046;
	[dreg:$0x1] =	wrdreg $0xFFFFFFFF  }
0xad: {  	s28 =	simm.s32 $_size_execute0_lowered;
	s3 =	sadd.s32 s3, s5;
	[dreg:$0x0] =	wrdreg $0x0  }
0xae: {  	s5 =	sshll.u32 s28, $0x1;
	[dreg:$0x2] =	wrdreg s3  }
0xaf: {  	[dreg:$0x3] =	wrdreg s5  }
0xb0: {  	[dreg:$0x4] =	wrdreg $0xC0  }
0xb1: {  	_ =	task [dreg:s7], $0x5FFFF  }
0xb2: {  	[dreg:$0x1] =	wrdreg $0xFFFFFFFF  }
0xb3: {  	[dreg:$0x0] =	wrdreg $0x60  }
0xb4: {  	[dreg:$0x2] =	wrdreg s24  }
0xb5: {  	[dreg:$0x3] =	wrdreg s16  }
0xb6: {  	[dreg:$0x4] =	wrdreg $0x9  }
0xb7: {  	_ =	task.clear_ibuf [dreg:s7], $0x5FFFF;
	_ =	strace $0x90000046  }
0xb8: {  	s29 =	simm.s32 $0x9;
	_ =	strace $0x80000048  }
0xb9: {  	_ =	swait.ge [sflag:s29], $0x1  }
0xba: {  	[sflag:s29] =	ssyncadd.s32 $0xFFFFFFFF  }
0xbb: {  	_ =	strace $0x90000048  }
0xbc: {  	_ =	sfence  }
0xbd: {  	s30 =	sld [smem:$0x0];
	_ =	sdelay $0x2  }
0xbe: {  	s31 =	sshll.u32 s1, $0xD;
	s1 =	sshrl.u32 s1, $0x2  }
0xbf: {  	s3 =	sand.u32 $0x4000, s31;
	s1 =	sadd.s32 s1, s30  }
0xc0: {  	s0 =	sor.u32 s3, s0;
	s1 =	sshll.u32 s1, $0x11  }
0xc1: {  	s0 =	sor.u32 s1, s0  }
0xc2: {  	s0 =	sadd.s32 $0x8F2B, s0  }
0xc3: {  	[sflag:s0] =	ssyncadd.remote.s32 $0x1  }
0xc4: {  	_ =	sfence.sel $0xFFFF  }
0xc5: {  	[dreg:$0x0] =	wrdreg $0xFFFFFFFF;
	(pc) =	sbr.abs _section_cstart, $3  }
0xc6: {  	[dreg:$0x1] =	wrdreg $0xFFFFFFFF  }
0xc7: {  	_ =	task.clear_ibuf [dreg:s7], $0x2FFFF;
	_ =	strace $0x9FFFFFFF  }
0xc8: {  	(tm) =	ssettm $0x7FFFFFFF  }
0xc9: {  	_ =	shalt  }
tec
execute0_lowered:
.L_overlay_start_1:
0x0: {  	(tag) =	ssettag $0x1  }
0x1: {  	s5 =	rddreg [dreg:$0x0]  }
0x2: {  	s1 =	rddreg [dreg:$0x1]  }
0x3: {  	s0 =	rddreg [dreg:$0x2];
	s3 =	simm.s32 $0x0;
	s4 =	srdreg.scid  }
0x4: {  	s2 =	stileid.u32;
	s10 =	simm.s32 $0x1;
	s11 =	simm.s32 $0xCB20  }
0x5: {  	s12 =	simm.s32 $0x0;
	[smem:$0x7FF] =	sst s3;
	s6 =	sand.u32 $0x1, s4  }
0x6: {  	s8 =	sshll.u32 s2, $0x1;
	s4 =	sadd.s32 $0xF42E00, s5;
	s7 =	ssub.s32 $0x2, s6  }
0x7: {  	s5 =	sadd.s32 $0xA00, s5;
	_ =	strace $0x80000047;
	s9 =	sshrl.u32 s7, $0x1  }
0x8: {  	s6 =	sor.u32 s6, s8;
	s8 =	simm.s32 $0x2;
	s7 =	ssub.s32 s7, s9  }
0x9: {  	s6 =	smul.u32 $0x1900, s6;
	s9 =	simm.s32 $0x320;
	s7 =	smax.u32 s7, $0x1  }
.LBB2_1:
0xa: {  	s13 =	simm.s32 $0x0  }
.LBB2_2:
0xb: {  	s14 =	smul.u32 $0x320, s13;
	_ =	sdelay $0x1  }
0xc: {  	s14 =	sadd.s32 s6, s14  }
0xd: {  	s15 =	sshrl.u32 s14, $0x3  }
0xe: {  	s16 =	simm.s32 $0x0;
	s15 =	sadd.s32 s5, s15  }
0xf: {  	[tilespmem:s16], [sflag:$0x2] =	stream.linear.gather [hbm4b:s15+s16], $0x320, $0x38;
	[tilespmem:$0x19320] =	vst v63  }
0x10: {  	_ =	swait.ge [sflag:s8], $0x320  }
0x11: {  	[sflag:s8] =	ssyncset.done $0x0  }
0x12: {  	[sflag:s8] =	ssyncadd.s32 $0xFFFFFCE0  }
0x13: {  	[tilespmem:s9], [sflag:$0x1] =	stream.indirect.gather [hbm4b:s4+s9], $0x40, s16, s9, $0xb8;
	[tilespmem:$0x19320] =	vst v63  }
0x14: {  	_ =	swait.ge [sflag:s10], $0xC800  }
0x15: {  	[sflag:s10] =	ssyncset.done $0x0  }
0x16: {  	s15 =	simm.s32 $0x0;
	[sflag:s10] =	ssyncadd.s32 $0xFFFF3800  }
0x17: {  	v3 =	vld [tilespmem:s15+$0x390]  }
0x18: {  	v4 =	vld [tilespmem:s15+$0x320]  }
0x19: {  	v5 =	vld [tilespmem:s15+$0x360]  }
0x1a: {  	v2 =	vld [tilespmem:s15+$0x330]  }
0x1b: {  	v0 =	vld [tilespmem:s15+$0x370]  }
0x1c: {  	v1 =	vld [tilespmem:s15+$0x340];
	[tilespmem:s15+$0xCB90] =	vst v3  }
0x1d: {  	[tilespmem:s15+$0xCB20] =	vst v4;
	v3 =	vld [tilespmem:s15+$0x380]  }
0x1e: {  	s17 =	simm.s32 $0x400;
	s16 =	simm.s32 $0x80;
	[tilespmem:s15+$0xCB60] =	vst v5;
	v4 =	vld [tilespmem:s15+$0x350]  }
.LBB2_3:
0x1f: {  	p0 =	sne.s32 s17, $0x31E00;
	v5 =	vld [tilespmem:s16+$0x390];
	[tilespmem:s15+$0xCB30] =	vst v2  }
0x20: {  	v6 =	vld [tilespmem:s16+$0x320];
	[tilespmem:s15+$0xCB70] =	vst v0  }
0x21: {  	v7 =	vld [tilespmem:s16+$0x360];
	[tilespmem:s15+$0xCB40] =	vst v1  }
.Ltmp0:
0x22: {  	v2 =	vld [tilespmem:s16+$0x330];
	[tilespmem:s15+$0xCB80] =	vst v3;
	(pc) =	sbr.rel @p0 .LBB2_3-.Ltmp0, $4  }
0x23: {  	v0 =	vld [tilespmem:s16+$0x370];
	[tilespmem:s15+$0xCB50] =	vst v4;
	s15 =	smov.u32 s16  }
0x24: {  	v1 =	vld [tilespmem:s15+$0x340];
	[tilespmem:s15+$0xCB90] =	vst v5  }
0x25: {  	[tilespmem:s15+$0xCB20] =	vst v6;
	v3 =	vld [tilespmem:s15+$0x380]  }
0x26: {  	s16 =	sshra.s32 s17, $0x2;
	s17 =	sadd.s32 $0x200, s17;
	[tilespmem:s15+$0xCB60] =	vst v7;
	v4 =	vld [tilespmem:s15+$0x350]  }
0x27: {  	v5 =	vld [tilespmem:s16+$0x390];
	[tilespmem:s15+$0xCB30] =	vst v2  }
0x28: {  	v2 =	vld [tilespmem:s16+$0x320];
	[tilespmem:s15+$0xCB70] =	vst v0  }
0x29: {  	v0 =	vld [tilespmem:s16+$0x360];
	[tilespmem:s15+$0xCB40] =	vst v1  }
0x2a: {  	v1 =	vld [tilespmem:s16+$0x330];
	[tilespmem:s15+$0xCB80] =	vst v3  }
0x2b: {  	v3 =	vld [tilespmem:s16+$0x370];
	[tilespmem:s15+$0xCB50] =	vst v4  }
0x2c: {  	v4 =	vld [tilespmem:s16+$0x340];
	[tilespmem:s16+$0xCB90] =	vst v5  }
0x2d: {  	v62 =	vld [tilespmem:s16+$0x380];
	[tilespmem:s16+$0xCB20] =	vst v2  }
0x2e: {  	v63 =	vld [tilespmem:s16+$0x350];
	[tilespmem:s16+$0xCB60] =	vst v0  }
0x2f: {  	[tilespmem:s16+$0xCB30] =	vst v1  }
0x30: {  	[tilespmem:s16+$0xCB70] =	vst v3  }
0x31: {  	s13 =	sadd.s32 $0x1, s13;
	[tilespmem:s16+$0xCB40] =	vst v4  }
0x32: {  	s14 =	sshll.u32 s14, $0x3;
	p0 =	sne.s32 s13, $0x8;
	[tilespmem:s16+$0xCB80] =	vst v62  }
.Ltmp1:
0x33: {  	s14 =	sadd.s32 s1, s14;
	[tilespmem:s16+$0xCB50] =	vst v63;
	(pc) =	sbr.rel @p0 .LBB2_2-.Ltmp1, $4  }
0x34: {  	[hbm4b:s14+s3] =	stream.linear.scatter [tilespmem:s11], [sflag:$0x2], $0xC800, $0x38;
	[tilespmem:$0x19320] =	vst v63  }
0x35: {  	_ =	swait.ge [sflag:s8], $0xC800  }
0x36: {  	[sflag:s8] =	ssyncset.done $0x0  }
0x37: {  	[sflag:s8] =	ssyncadd.s32 $0xFFFF3800  }
0x38: {  	s12 =	sadd.s32 $0x1, s12  }
0x39: {  	p0 =	sne.s32 s12, s7  }
.Ltmp2:
0x3a: {  	_ = 	snop;
	(pc) =	sbr.rel @p0 .LBB2_1-.Ltmp2, $1  }
0x3b: {  	_ =	sdelay $0x3  }
0x3c: {  	_ =	sfence.sel $0x180000  }
0x3d: {  	[bflag:$0x0] =	sbarrier.arrive $0xFFFF  }
0x3e: {  	p0 =	sne.s32 s2, $0x0;
	_ =	strace $0x90000047  }
0x3f: {  	s0 =	sadd.s32 @!p0 $0x100000, s0;
	[bflag:$0x2] =	sbarrier.arrive $0xFFFF  }
0x40: {  	[sflag:s0] =	ssyncadd.tile.s32 @!p0 $0x1;
	_ =	shalt  }
.Lfunc_end2:
_tile_overlayer_lowered:
.L_overlay_start_2:
0x41: {  	(tag) =	ssettag $0x2  }
0x42: {  	s0 =	rddreg [dreg:$0x0];
	s2 =	stileid.u32  }
0x43: {  	s1 =	rddreg [dreg:$0x1];
	p0 =	sne.s32 s2, $0x0  }
0x44: {  	s3 =	rddreg [dreg:$0x2];
	[bflag:$0x3] =	sbarrier.arrive $0xFFFF;
	s2 =	simm.s32 @!p0 $0x1C02  }
0x45: {  	[timem:s3], [sflag:s2] =	dma.local @!p0 [hbm:s0], s1  }
0x46: {  	s0 =	simm.s32 @!p0 $0x2  }
0x47: {  	_ =	swait.ge @!p0 [sflag:s0], s1  }
0x48: {  	s1 =	ssub.s32 @!p0 $0x0, s1;
	[sflag:s0] =	ssyncset.done @!p0 $0x0  }
0x49: {  	[sflag:s0] =	ssyncadd.s32 @!p0 s1  }
0x4a: {  	[bflag:$0x3] =	sbarrier.arrive $0xFFFF  }
0x4b: {  	_ =	shalt  }

// kernel: sparse-core-data-format-call.cloned.1.call-start
scs
called_computation_lowered:
.L_overlay_start_0:
0x0: {  	s2 =	sld [smem:$0x3FD9]  }
0x1: {  	s3 =	sld [smem:$0x3FFE];
	_ =	sdelay $0x1  }
0x2: {  	s1 =	srdreg.scid  }
0x3: {  	s0 =	sand.u32 $0x1, s1  }
0x4: {  	s15 =	sshll.u32 s0, $0xA;
	s2 =	sadd.s32 s3, s2  }
0x5: {  	s2 =	sadd.s32 s2, s15  }
0x6: {  	[smem:$0x3FC6] =	sst s2  }
0x7: {  	_ = 	snop  }
0x8: {  	s2 =	sld [smem:$0x3FD0];
	_ =	sdelay $0x2  }
0x9: {  	s16 =	simm.s32 $0xA;
	s4 =	simm.s32 $0x10  }
0xa: {  	[smem:s4], [sflag:s16] =	dma.local [hbm:s2], $0x1  }
0xb: {  	_ =	swait.eq [sflag:s16], $0x1  }
0xc: {  	[sflag:s16] =	ssyncset.done $0x0  }
0xd: {  	[sflag:s16] =	ssyncadd.s32 $0xFFFFFFFF  }
0xe: {  	s17 =	sld [smem:$0x10];
	(tm) =	ssettm $0x1  }
0xf: {  	s18 =	sld [smem:$0x3FFB];
	_ =	sdelay $0x3  }
0x10: {  	_ =	strace s18  }
0x11: {  	s3 =	sld [smem:$0x3FFC];
	_ =	sdelay $0x3  }
0x12: {  	_ =	strace s3  }
0x13: {  	s3 =	sld [smem:$0x3FFD];
	_ =	sdelay $0x3  }
0x14: {  	_ =	strace s3  }
0x15: {  	_ =	strace $0x8FFFFFFF  }
0x16: {  	s19 =	sld [smem:$0x3FDB];
	_ =	sdelay $0x1  }
0x17: {  	s20 =	simm.s32 $_scs_section_size  }
0x18: {  	s5 =	simm.s32 $_size__tile_overlayer_lowered;
	s6 =	simm.s32 $_tile_overlayer_lowered  }
0x19: {  	s23 =	simm.s32 $0x1BFF;
	s22 =	sshll.u32 s6, $0x1;
	s3 =	sadd.s32 s20, s19  }
0x1a: {  	s7 =	simm.s32 $0x0;
	s21 =	sshll.u32 s5, $0x1;
	s5 =	sadd.s32 s22, s3  }
0x1b: {  	[timem:s7], [sflag:s23] =	dma.local [hbm:s5], s21  }
0x1c: {  	_ =	swait.ge [sflag:s23], s21  }
0x1d: {  	s4 =	ssub.s32 $0x0, s21;
	[sflag:s23] =	ssyncset.done $0x0  }
0x1e: {  	[sflag:s23] =	ssyncadd.s32 s4;
	_ =	sdelay $0x1  }
0x1f: {  	s24 =	simm.s32 $0x1B8B  }
0x20: {  	_ =	swait.ge [sflag:s24], $0x1  }
0x21: {  	[sflag:s24] =	ssyncset.done $0x0  }
0x22: {  	s26 =	simm.s32 $0x1B8E;
	s25 =	sld [smem:$0x3FFE];
	[sflag:s24] =	ssyncadd.s32 $0xFFFFFFFF  }
0x23: {  	s27 =	simm.s32 $execute0_lowered;
	[smem:$0x3FD2] =	sst s26  }
0x24: {  	s5 =	sshll.u32 s27, $0x1;
	_ =	strace $0x80000049;
	[dreg:$0x1] =	wrdreg $0xFFFFFFFF  }
0x25: {  	s28 =	simm.s32 $_size_execute0_lowered;
	s3 =	sadd.s32 s3, s5;
	[dreg:$0x0] =	wrdreg $0x0  }
0x26: {  	s5 =	sshll.u32 s28, $0x1;
	[dreg:$0x2] =	wrdreg s3  }
0x27: {  	[dreg:$0x3] =	wrdreg s5  }
0x28: {  	[dreg:$0x4] =	wrdreg $0xC0  }
0x29: {  	_ =	task [dreg:s7], $0x5FFFF  }
0x2a: {  	[dreg:$0x1] =	wrdreg $0xFFFFFFFF  }
0x2b: {  	[dreg:$0x0] =	wrdreg $0x60  }
0x2c: {  	[dreg:$0x2] =	wrdreg s25  }
0x2d: {  	[dreg:$0x3] =	wrdreg s17  }
0x2e: {  	[dreg:$0x4] =	wrdreg $0x9  }
0x2f: {  	_ =	task.clear_ibuf [dreg:s7], $0x5FFFF;
	_ =	strace $0x90000049  }
0x30: {  	s29 =	simm.s32 $0x9;
	_ =	strace $0x8000004B  }
0x31: {  	_ =	swait.ge [sflag:s29], $0x1  }
0x32: {  	[sflag:s29] =	ssyncadd.s32 $0xFFFFFFFF  }
0x33: {  	_ =	strace $0x9000004B  }
0x34: {  	_ =	sfence  }
0x35: {  	s30 =	sld [smem:$0x0];
	_ =	sdelay $0x2  }
0x36: {  	s31 =	sshll.u32 s1, $0xD;
	s1 =	sshrl.u32 s1, $0x2  }
0x37: {  	s3 =	sand.u32 $0x4000, s31;
	s1 =	sadd.s32 s1, s30  }
0x38: {  	s0 =	sor.u32 s3, s0;
	s1 =	sshll.u32 s1, $0x11  }
0x39: {  	s0 =	sor.u32 s1, s0  }
0x3a: {  	s0 =	sadd.s32 $0x8F2B, s0  }
0x3b: {  	[sflag:s0] =	ssyncadd.remote.s32 $0x1  }
0x3c: {  	_ =	sfence.sel $0xFFFF  }
0x3d: {  	[dreg:$0x0] =	wrdreg $0xFFFFFFFF;
	(pc) =	sbr.abs _section_cstart, $3  }
0x3e: {  	[dreg:$0x1] =	wrdreg $0xFFFFFFFF  }
0x3f: {  	_ =	task.clear_ibuf [dreg:s7], $0x2FFFF;
	_ =	strace $0x9FFFFFFF  }
0x40: {  	(tm) =	ssettm $0x7FFFFFFF  }
0x41: {  	_ =	shalt  }
tec
execute0_lowered:
.L_overlay_start_1:
0x0: {  	(tag) =	ssettag $0x1  }
0x1: {  	s0 =	stileid.u32;
	s6 =	rddreg [dreg:$0x0]  }
0x2: {  	s2 =	rddreg [dreg:$0x1];
	s5 =	srdreg.scid  }
0x3: {  	s31 =	simm.s32 $0x2;
	s13 =	simm.s32 $0x0;
	s1 =	sshll.u32 s0, $0x7  }
0x4: {  	s14 =	simm.s32 $0x0;
	s12 =	simm.s32 $0x0;
	s3 =	sand.u32 $0x380, s1  }
0x5: {  	s5 =	sshll.u32 s5, $0x4;
	s6 =	sadd.s32 $0xA00, s6;
	s4 =	ssub.s32 $0x400, s3  }
0x6: {  	s1 =	rddreg [dreg:$0x2];
	_ =	strace $0x8000004A;
	s7 =	sand.u32 $0x380, s4  }
0x7: {  	s5 =	sand.u32 $0x10, s5;
	p0 =	sne.s32 s7, $0x0;
	s7 =	simm.s32 $0x1  }
.Ltmp0:
0x8: {  	s8 =	sshrl.u32 s4, $0xA;
	s7 =	simm.s32 @!p0 $0x0;
	(pc) =	sbr.rel .LBB1_1-.Ltmp0, $4  }
0x9: {  	s9 =	sor.u32 s0, s5;
	s4 =	simm.s32 $0x1;
	s30 =	sadd.s32 s7, s8  }
0xa: {  	s11 =	smov.u32 s3;
	[sflag:s4] =	ssyncpa.u1 $0x0;
	s5 =	smul.u32 $0x32, s30  }
0xb: {  	[sflag:s31] =	ssyncpa.u1 $0x0;
	p0 =	por $0x0, $0x0;
	s7 =	sshrl.u32 s9, $0x3  }
0xc: {  	s9 =	simm.s32 $0x2000;
	s10 =	smov.u32 s7;
	s8 =	sor.u32 $0x1, s5  }
.LBB1_4:
0xd: {  	s17 =	sand.u32 $0x1F80, s14;
	s13 =	sshll.u32 s13, $0xD  }
0xe: {  	[tilespmem:s16+$0x810 ss:$0x81] =	vst.msk $0xffff, v2;
	s18 =	sshrl.u32 s14, $0x3;
	s31 =	sand.u32 $0x7, s14;
	s17 =	sadd.s32 s2, s17  }
0xf: {  	[tilespmem:s16+$0x1020 ss:$0x81] =	vst.msk $0xffff, v0;
	s18 =	sand.u32 $0xF, s18;
	s14 =	sshll.u32 s31, $0x12;
	s13 =	sadd.s32 s13, s17  }
0x10: {  	[tilespmem:s16+$0x0 ss:$0x81] =	vst.msk $0xffff, v1;
	s14 =	sor.u32 $0x400, s14;
	s13 =	sadd.s32 s18, s13  }
0x11: {  	[hbm4b:s13+s14] =	stream.strided.scatter [tilespmem:s15], [sflag:$0x2], $0x2000, s9, s14, $0x20;
	[tilespmem:$0x8080] =	vst v63  }
.LBB1_5:
0x12: {  	s15 =	sadd.s32 $0x4, s10  }
0x13: {  	s13 =	sadd.s32 $0x400, s11;
	s17 =	smov.u32 s11;
	p2 =	sgt.s32 s15, $0xC7  }
0x14: {  	s17 =	smov.u32 @p2 s13  }
0x15: {  	s15 =	smov.u32 @p2 s7;
	p2 =	sgt.s32 s17, $0x3FF  }
0x16: {  	s17 =	smov.u32 @p2 s3;
	p2 =	sne.s32 s12, s8  }
.Ltmp1:
0x17: {  	p1 =	slt.u32 s12, $0x2;
	(pc) =	sbr.rel @!p2 .LBB1_6-.Ltmp1, $4  }
0x18: {  	s16 =	simm.s32 @!p1 $0x2  }
0x19: {  	s14 =	smov.u32 s11;
	p0 =	por !p0, !p0;
	_ =	swait.ge @!p1 [sflag:s16], $0x2000  }
0x1a: {  	s13 =	smov.u32 s10;
	[sflag:s16] =	ssyncset.done @!p1 $0x0;
	s10 =	smov.u32 s15  }
0x1b: {  	s12 =	sadd.s32 $0x1, s12;
	[sflag:s16] =	ssyncadd.s32 @!p1 $0xFFFFE000;
	s11 =	smov.u32 s17  }
.LBB1_1:
0x1c: {  	p1 =	sge.u32 s12, s5  }
0x1d: {  	s15 =	sand.u32 @!p1 $0x1FFFFFF, s10  }
0x1e: {  	s16 =	smulhi.u32 @!p1 $0x147AE15, s15;
	_ =	sdelay $0x1  }
0x1f: {  	s16 =	smul.u32 @!p1 $0xC8, s16  }
0x20: {  	s17 =	sxor.u32 @!p1 $0xFFFFFFFF, s12;
	s18 =	smul.u32 @!p1 $0xC80, s11  }
0x21: {  	s31 =	sadd.s32 $0xFFFFFFFF, s12;
	s17 =	sshll.u32 @!p1 s17, $0xD;
	s15 =	ssub.s32 @!p1 s15, s16  }
0x22: {  	s16 =	sand.u32 @!p1 $0x2000, s17;
	s17 =	sadd.s32 @!p1 s6, s18;
	s15 =	sshll.u32 @!p1 s15, $0x4  }
0x23: {  	s18 =	simm.s32 @!p1 $0x6400;
	s15 =	sadd.s32 @!p1 s15, s17;
	s17 =	simm.s32 @!p1 $0x40  }
0x24: {  	[tilespmem:s16], [sflag:$0x1] =	stream.strided.gather @!p1 [hbm4b:s15+s17], $0x2000, s18, s17, $0x38;
	[tilespmem:$0x8080] =	vst v63  }
0x25: {  	p1 =	sge.u32 s31, s5  }
.Ltmp2:
0x26: {  	_ = 	snop;
	(pc) =	sbr.rel @p1 .LBB1_5-.Ltmp2, $1  }
0x27: {  	_ =	sdelay $0x3  }
0x28: {  	s15 =	simm.s32 $0x1  }
0x29: {  	_ =	swait.ge [sflag:s4], $0x2000;
	s15 =	simm.s32 @!p0 $0x0  }
0x2a: {  	[sflag:s4] =	ssyncset.done $0x0;
	s16 =	sshll.u32 s15, $0xD  }
0x2b: {  	[sflag:s4] =	ssyncadd.s32 $0xFFFFE000;
	s19 =	sor.u32 $0x20, s16  }
0x2c: {  	s15 =	smul.u32 $0x8100, s15;
	v3 =	vld [tilespmem:s19+$0x10]  }
0x2d: {  	s30 =	sand.u32 $0x1, s12;
	v2 =	vld [tilespmem:s19+$0xFFFFFFF0]  }
0x2e: {  	s16 =	smul.u32 $0x8100, s30;
	s15 =	sshrl.u32 s15, $0x2;
	v0 =	vld [tilespmem:s19+$0x0]  }
0x2f: {  	v1 =	vld [tilespmem:s19+$0xFFFFFFE0];
	s17 =	sor.u32 $0x4000, s15  }
0x30: {  	s31 =	sshrl.u32 s16, $0x2;
	s16 =	sadd.s32 $0x0, s17  }
0x31: {  	s18 =	simm.s32 $0x4;
	s19 =	sadd.s32 $0x40, s19;
	s15 =	sor.u32 $0x4000, s31;
	[tilespmem:s16+$0x1830 ss:$0x81] =	vst.msk $0xffff, v3  }
.LBB1_3:
0x32: {  	v3 =	vld [tilespmem:s19+$0x10];
	p1 =	sne.s32 s18, $0x1FC;
	[tilespmem:s16+$0x810 ss:$0x81] =	vst.msk $0xffff, v2;
	s20 =	smov.u32 s18;
	s18 =	sadd.s32 $0x4, s18  }
.Ltmp3:
0x33: {  	v2 =	vld [tilespmem:s19+$0xFFFFFFF0];
	[tilespmem:s16+$0x1020 ss:$0x81] =	vst.msk $0xffff, v0;
	(pc) =	sbr.rel @p1 .LBB1_3-.Ltmp3, $4  }
0x34: {  	v0 =	vld [tilespmem:s19+$0x0];
	[tilespmem:s16+$0x0 ss:$0x81] =	vst.msk $0xffff, v1  }
0x35: {  	s16 =	sshra.s32 s20, $0x2;
	v1 =	vld [tilespmem:s19+$0xFFFFFFE0]  }
0x36: {  	s16 =	sadd.s32 s16, s17  }
0x37: {  	s19 =	sadd.s32 $0x40, s19;
	[tilespmem:s16+$0x1830 ss:$0x81] =	vst.msk $0xffff, v3  }
.Ltmp4:
0x38: {  	_ = 	snop;
	(pc) =	sbr.rel .LBB1_4-.Ltmp4, $1  }
0x39: {  	_ =	sdelay $0x3  }
.LBB1_6:
0x3a: {  	_ =	sfence.sel $0x180000  }
0x3b: {  	s2 =	simm.s32 $0x1;
	[bflag:$0x0] =	sbarrier.arrive $0xFFFF  }
0x3c: {  	s31 =	simm.s32 $0x2;
	[sflag:s2] =	ssyncpa.u1 $0x1  }
0x3d: {  	[sflag:s31] =	ssyncpa.u1 $0x1  }
0x3e: {  	p0 =	sne.s32 s0, $0x0;
	_ =	strace $0x9000004A  }
0x3f: {  	s0 =	sadd.s32 @!p0 $0x100000, s1;
	[bflag:$0x2] =	sbarrier.arrive $0xFFFF  }
0x40: {  	[sflag:s0] =	ssyncadd.tile.s32 @!p0 $0x1;
	_ =	shalt  }
.Lfunc_end1:
_tile_overlayer_lowered:
.L_overlay_start_2:
0x41: {  	(tag) =	ssettag $0x2  }
0x42: {  	s0 =	rddreg [dreg:$0x0];
	s2 =	stileid.u32  }
0x43: {  	s1 =	rddreg [dreg:$0x1];
	p0 =	sne.s32 s2, $0x0  }
0x44: {  	s3 =	rddreg [dreg:$0x2];
	[bflag:$0x3] =	sbarrier.arrive $0xFFFF;
	s2 =	simm.s32 @!p0 $0x1C01  }
0x45: {  	[timem:s3], [sflag:s2] =	dma.local @!p0 [hbm:s0], s1  }
0x46: {  	s0 =	simm.s32 @!p0 $0x1  }
0x47: {  	_ =	swait.ge @!p0 [sflag:s0], s1  }
0x48: {  	s1 =	ssub.s32 @!p0 $0x0, s1;
	[sflag:s0] =	ssyncset.done @!p0 $0x0  }
0x49: {  	[sflag:s0] =	ssyncadd.s32 @!p0 s1  }
0x4a: {  	[bflag:$0x3] =	sbarrier.arrive $0xFFFF  }
0x4b: {  	_ =	shalt  }

</sc_bundles>
